<compile_context>
chip_gen: v7x
topology: tpu7x:2x2x1
jax: 0.10.2.dev20260603
libtpu: 0.0.44.dev20260713+nightly
codegen_flags: <defaults>
</compile_context>

<pallas_src>
import functools

import jax
import jax.numpy as jnp
from jax import lax
from jax.experimental import pallas as pl
from jax.experimental.pallas import tpu as pltpu
from jax.experimental.pallas import tpu_sc as plsc

D_IN = 768
D_MODEL = 1152
NUM_POS = 332
BATCH = 4096


_NC = 2
_NS = 16
_NW = _NC * _NS
_B_PER_W = BATCH // _NW
_CHUNK = 64
_N_CHUNKS = _B_PER_W // _CHUNK

@functools.cache
def _make_sc_gather():
    mesh = plsc.VectorSubcoreMesh(core_axis_name="c", subcore_axis_name="s")

    @functools.partial(
        pl.kernel,
        out_type=jax.ShapeDtypeStruct((BATCH, D_MODEL), jnp.float32),
        mesh=mesh,
        scratch_types=[
            pltpu.VMEM((_CHUNK,), jnp.int32),
            pltpu.VMEM((_CHUNK, D_MODEL), jnp.float32),
            pltpu.SemaphoreType.DMA,
        ],
    )
    def _sc_gather(table_hbm, idx_hbm, out_hbm, idx_v, rows_v, sem):
        wid = lax.axis_index("s") * _NC + lax.axis_index("c")
        base = wid * _B_PER_W
        for c in range(_N_CHUNKS):
            start = base + c * _CHUNK
            pltpu.sync_copy(idx_hbm.at[pl.ds(start, _CHUNK)], idx_v)
            pltpu.async_copy(table_hbm.at[idx_v], rows_v, sem).wait()
            pltpu.sync_copy(rows_v, out_hbm.at[pl.ds(start, _CHUNK)])

    return _sc_gather



_BM = 512


def _tc_body(phrase_ref, pos_ref, w1_ref, b1_ref, wmu_ref, bmu_ref,
             wvar_ref, bvar_ref, feat_ref, mean_ref, var_ref):
    h = jnp.dot(phrase_ref[...], w1_ref[...],
                preferred_element_type=jnp.float32)
    h = jnp.maximum(h + b1_ref[...], 0.0)
    mean = jnp.dot(h, wmu_ref[...],
                   preferred_element_type=jnp.float32) + bmu_ref[...]
    logvar = jnp.dot(h, wvar_ref[...],
                     preferred_element_type=jnp.float32) + bvar_ref[...]
    mean_ref[...] = mean
    var_ref[...] = jnp.exp(logvar)
    feat_ref[...] = mean + pos_ref[...]


def _tc_encoder(phrase, pos_emb, W1, b1, Wmu, bmu, Wvar, bvar):
    n_blocks = BATCH // _BM
    row_spec = pl.BlockSpec((_BM, D_IN), lambda i: (i, 0))
    row_out = pl.BlockSpec((_BM, D_MODEL), lambda i: (i, 0))
    full = lambda shape: pl.BlockSpec(shape, lambda i: (0, 0))
    out_shape = jax.ShapeDtypeStruct((BATCH, D_MODEL), jnp.float32)
    return pl.pallas_call(
        _tc_body,
        grid=(n_blocks,),
        in_specs=[
            row_spec,
            row_out,
            full((D_IN, D_MODEL)),
            full((1, D_MODEL)),
            full((D_MODEL, D_MODEL)),
            full((1, D_MODEL)),
            full((D_MODEL, D_MODEL)),
            full((1, D_MODEL)),
        ],
        out_specs=[row_out, row_out, row_out],
        out_shape=[out_shape, out_shape, out_shape],
        compiler_params=pltpu.CompilerParams(
            dimension_semantics=("arbitrary",),
        ),
    )(phrase, pos_emb, W1, b1, Wmu, bmu, Wvar, bvar)


def kernel(phrase, position, W1, b1, Wmu, bmu, Wvar, bvar, pos_table):
    pos_emb = _make_sc_gather()(pos_table, position.astype(jnp.int32))
    feature, mean, var = _tc_encoder(
        phrase, pos_emb, W1,
        b1.reshape(1, D_MODEL), Wmu, bmu.reshape(1, D_MODEL),
        Wvar, bvar.reshape(1, D_MODEL))
    return (feature, mean, var)

# --- scband reference (transcript-rebuilt; emitter-appended) ---
"""Pipeline reference for scband-phrase-model-41781441855599 (READ-ONLY COPY).

The authoritative reference and input builder live on the scoring server;
editing this copy changes nothing except your own understanding.
"""

import jax, jax.numpy as jnp
import numpy as np

D_IN = 768
D_MODEL = 1152
NUM_POS = 332
BATCH = 4096

def setup_inputs(seed: int = 0) -> dict:
    key = jax.random.key(seed)
    ks = jax.random.split(key, 10)
    phrase = jax.random.normal(ks[0], (BATCH, D_IN), dtype=jnp.float32)
    position = jax.random.randint(ks[1], (BATCH,), 0, NUM_POS, dtype=jnp.int64 if jax.config.jax_enable_x64 else jnp.int32)
    W1 = jax.random.normal(ks[2], (D_IN, D_MODEL), dtype=jnp.float32) * 0.02
    b1 = jnp.zeros((D_MODEL,), dtype=jnp.float32)
    Wmu = jax.random.normal(ks[3], (D_MODEL, D_MODEL), dtype=jnp.float32) * 0.02
    bmu = jnp.zeros((D_MODEL,), dtype=jnp.float32)
    Wvar = jax.random.normal(ks[4], (D_MODEL, D_MODEL), dtype=jnp.float32) * 0.02
    bvar = jnp.zeros((D_MODEL,), dtype=jnp.float32)
    pos_table = jax.random.normal(ks[5], (NUM_POS, D_MODEL), dtype=jnp.float32) * 0.02
    return {"phrase": phrase, "position": position, "W1": W1, "b1": b1, "Wmu": Wmu, "bmu": bmu, "Wvar": Wvar, "bvar": bvar, "pos_table": pos_table}

def reference(phrase, position, W1, b1, Wmu, bmu, Wvar, bvar, pos_table):
    # PhraseEncoder: MLP producing (z, mean, var); deterministic z = mean (eval-mode VAE encoder)
    h = jax.nn.relu(jnp.dot(phrase, W1) + b1)
    mean_phrase = jnp.dot(h, Wmu) + bmu
    logvar = jnp.dot(h, Wvar) + bvar
    var_phrase = jnp.exp(logvar)
    z_phrase = mean_phrase
    # position embedding lookup (gather)
    pos_emb = jnp.take(pos_table, position, axis=0)
    phrase_feature = z_phrase + pos_emb
    return (phrase_feature, mean_phrase, var_phrase)

if __name__ == "__main__":
    import jax
    _d = setup_inputs()
    print(jax.jit(kernel)(*tuple(_d.values())))

</pallas_src>

<mosaic_0001>
#map = affine_map<(d0, d1) -> (0, 0)>
#map1 = affine_map<(d0, d1) -> (0)>
module attributes {stable_mosaic.version = 14 : i64} {
  func.func @_sc_gather(%arg0: i32, %arg1: i32, %arg2: memref<332x1152xf32, #tpu.memory_space<hbm>>, %arg3: memref<4096xi32, #tpu.memory_space<hbm>>, %arg4: memref<4096x1152xf32, #tpu.memory_space<hbm>>, %arg5: memref<64xi32, #tpu.memory_space<vmem>>, %arg6: memref<64x1152xf32, #tpu.memory_space<vmem>>, %arg7: memref<!tpu.dma_semaphore, #tpu.memory_space<semaphore_mem>>) attributes {dimension_semantics = [#tpu.dimension_semantics<core_parallel>, #tpu.dimension_semantics<subcore_parallel>], iteration_bounds = array<i64: 2, 16>, scalar_prefetch = 0 : i64, scratch_operands = 3 : i64, tpu.core_type = #tpu.core_type<sc_vector_subcore>, window_params = [{transform_indices = #map}, {transform_indices = #map1}, {transform_indices = #map}]} {
    %mul3A = arith.constant 2 : i32
    %mul3A_0 = arith.muli %arg1, %mul3A : i32
    %add3A = arith.addi %mul3A_0, %arg0 : i32
    %mul3A_1 = arith.constant 128 : i32
    %mul3A_2 = arith.muli %add3A, %mul3A_1 : i32
    %add3A_3 = arith.constant 0 : i32
    %add3A_4 = arith.addi %mul3A_2, %add3A_3 : i32
    "tpu.region"() ({
      %run_scoped3A = tpu.sem_alloc : memref<!tpu.dma_semaphore, #tpu.memory_space<semaphore_mem>>
      %dma_start3A_17 = tpu.memref_slice %arg3[%add3A_4] : memref<4096xi32, #tpu.memory_space<hbm>> -> memref<64xi32, #tpu.memory_space<hbm>>
      %dma_start3A_18 = tpu.memref_slice %arg3[%add3A_4] : memref<4096xi32, #tpu.memory_space<hbm>> -> memref<64xi32, #tpu.memory_space<hbm>>
      tpu.enqueue_dma source(%dma_start3A_18 : memref<64xi32, #tpu.memory_space<hbm>>) target(%arg5 : memref<64xi32, #tpu.memory_space<vmem>>) target_semaphore(%run_scoped3A : memref<!tpu.dma_semaphore, #tpu.memory_space<semaphore_mem>>)
      %dma_wait3A_19 = tpu.memref_slice %arg3[%add3A_4] : memref<4096xi32, #tpu.memory_space<hbm>> -> memref<64xi32, #tpu.memory_space<hbm>>
      %dma_wait3A_20 = tpu.memref_slice %arg3[%add3A_4] : memref<4096xi32, #tpu.memory_space<hbm>> -> memref<64xi32, #tpu.memory_space<hbm>>
      tpu.wait_dma2 semaphore(%run_scoped3A : memref<!tpu.dma_semaphore, #tpu.memory_space<semaphore_mem>>) src(%dma_wait3A_20 : memref<64xi32, #tpu.memory_space<hbm>>) dst(%arg5 : memref<64xi32, #tpu.memory_space<vmem>>)
      tpu.yield
    }) : () -> ()
    %dma_start3A = arith.constant 0 : i32
    %dma_start3A_5 = arith.constant 0 : i32
    %dma_start3A_6 = tpu.memref_slice %arg2[%dma_start3A, %dma_start3A_5] : memref<332x1152xf32, #tpu.memory_space<hbm>> -> memref<332x1152xf32, #tpu.memory_space<hbm>>
    tpu.enqueue_indirect_dma source(%dma_start3A_6 : memref<332x1152xf32, #tpu.memory_space<hbm>>) target(%arg6 : memref<64x1152xf32, #tpu.memory_space<vmem>>) offsets(%arg5 : memref<64xi32, #tpu.memory_space<vmem>>) semaphore(%arg7 : memref<!tpu.dma_semaphore, #tpu.memory_space<semaphore_mem>>)
    %dma_wait3A = arith.constant 0 : i32
    %dma_wait3A_7 = arith.constant 0 : i32
    %dma_wait3A_8 = tpu.memref_slice %arg2[%dma_wait3A, %dma_wait3A_7] : memref<332x1152xf32, #tpu.memory_space<hbm>> -> memref<332x1152xf32, #tpu.memory_space<hbm>>
    tpu.wait_indirect_dma semaphore(%arg7 : memref<!tpu.dma_semaphore, #tpu.memory_space<semaphore_mem>>) src(%dma_wait3A_8 : memref<332x1152xf32, #tpu.memory_space<hbm>>) dst(%arg6 : memref<64x1152xf32, #tpu.memory_space<vmem>>)
    "tpu.region"() ({
      %run_scoped3A = tpu.sem_alloc : memref<!tpu.dma_semaphore, #tpu.memory_space<semaphore_mem>>
      %dma_start3A_17 = arith.constant 0 : i32
      %dma_start3A_18 = tpu.memref_slice %arg4[%add3A_4, %dma_start3A_17] : memref<4096x1152xf32, #tpu.memory_space<hbm>> -> memref<64x1152xf32, #tpu.memory_space<hbm>>
      %dma_start3A_19 = arith.constant 0 : i32
      %dma_start3A_20 = tpu.memref_slice %arg4[%add3A_4, %dma_start3A_19] : memref<4096x1152xf32, #tpu.memory_space<hbm>> -> memref<64x1152xf32, #tpu.memory_space<hbm>>
      tpu.enqueue_dma source(%arg6 : memref<64x1152xf32, #tpu.memory_space<vmem>>) target(%dma_start3A_20 : memref<64x1152xf32, #tpu.memory_space<hbm>>) target_semaphore(%run_scoped3A : memref<!tpu.dma_semaphore, #tpu.memory_space<semaphore_mem>>)
      %dma_wait3A_21 = arith.constant 0 : i32
      %dma_wait3A_22 = tpu.memref_slice %arg4[%add3A_4, %dma_wait3A_21] : memref<4096x1152xf32, #tpu.memory_space<hbm>> -> memref<64x1152xf32, #tpu.memory_space<hbm>>
      %dma_wait3A_23 = arith.constant 0 : i32
      %dma_wait3A_24 = tpu.memref_slice %arg4[%add3A_4, %dma_wait3A_23] : memref<4096x1152xf32, #tpu.memory_space<hbm>> -> memref<64x1152xf32, #tpu.memory_space<hbm>>
      tpu.wait_dma2 semaphore(%run_scoped3A : memref<!tpu.dma_semaphore, #tpu.memory_space<semaphore_mem>>) src(%arg6 : memref<64x1152xf32, #tpu.memory_space<vmem>>) dst(%dma_wait3A_24 : memref<64x1152xf32, #tpu.memory_space<hbm>>)
      tpu.yield
    }) : () -> ()
    %add3A_9 = arith.constant 64 : i32
    %add3A_10 = arith.addi %mul3A_2, %add3A_9 : i32
    "tpu.region"() ({
      %run_scoped3A = tpu.sem_alloc : memref<!tpu.dma_semaphore, #tpu.memory_space<semaphore_mem>>
      %dma_start3A_17 = tpu.memref_slice %arg3[%add3A_10] : memref<4096xi32, #tpu.memory_space<hbm>> -> memref<64xi32, #tpu.memory_space<hbm>>
      %dma_start3A_18 = tpu.memref_slice %arg3[%add3A_10] : memref<4096xi32, #tpu.memory_space<hbm>> -> memref<64xi32, #tpu.memory_space<hbm>>
      tpu.enqueue_dma source(%dma_start3A_18 : memref<64xi32, #tpu.memory_space<hbm>>) target(%arg5 : memref<64xi32, #tpu.memory_space<vmem>>) target_semaphore(%run_scoped3A : memref<!tpu.dma_semaphore, #tpu.memory_space<semaphore_mem>>)
      %dma_wait3A_19 = tpu.memref_slice %arg3[%add3A_10] : memref<4096xi32, #tpu.memory_space<hbm>> -> memref<64xi32, #tpu.memory_space<hbm>>
      %dma_wait3A_20 = tpu.memref_slice %arg3[%add3A_10] : memref<4096xi32, #tpu.memory_space<hbm>> -> memref<64xi32, #tpu.memory_space<hbm>>
      tpu.wait_dma2 semaphore(%run_scoped3A : memref<!tpu.dma_semaphore, #tpu.memory_space<semaphore_mem>>) src(%dma_wait3A_20 : memref<64xi32, #tpu.memory_space<hbm>>) dst(%arg5 : memref<64xi32, #tpu.memory_space<vmem>>)
      tpu.yield
    }) : () -> ()
    %dma_start3A_11 = arith.constant 0 : i32
    %dma_start3A_12 = arith.constant 0 : i32
    %dma_start3A_13 = tpu.memref_slice %arg2[%dma_start3A_11, %dma_start3A_12] : memref<332x1152xf32, #tpu.memory_space<hbm>> -> memref<332x1152xf32, #tpu.memory_space<hbm>>
    tpu.enqueue_indirect_dma source(%dma_start3A_13 : memref<332x1152xf32, #tpu.memory_space<hbm>>) target(%arg6 : memref<64x1152xf32, #tpu.memory_space<vmem>>) offsets(%arg5 : memref<64xi32, #tpu.memory_space<vmem>>) semaphore(%arg7 : memref<!tpu.dma_semaphore, #tpu.memory_space<semaphore_mem>>)
    %dma_wait3A_14 = arith.constant 0 : i32
    %dma_wait3A_15 = arith.constant 0 : i32
    %dma_wait3A_16 = tpu.memref_slice %arg2[%dma_wait3A_14, %dma_wait3A_15] : memref<332x1152xf32, #tpu.memory_space<hbm>> -> memref<332x1152xf32, #tpu.memory_space<hbm>>
    tpu.wait_indirect_dma semaphore(%arg7 : memref<!tpu.dma_semaphore, #tpu.memory_space<semaphore_mem>>) src(%dma_wait3A_16 : memref<332x1152xf32, #tpu.memory_space<hbm>>) dst(%arg6 : memref<64x1152xf32, #tpu.memory_space<vmem>>)
    "tpu.region"() ({
      %run_scoped3A = tpu.sem_alloc : memref<!tpu.dma_semaphore, #tpu.memory_space<semaphore_mem>>
      %dma_start3A_17 = arith.constant 0 : i32
      %dma_start3A_18 = tpu.memref_slice %arg4[%add3A_10, %dma_start3A_17] : memref<4096x1152xf32, #tpu.memory_space<hbm>> -> memref<64x1152xf32, #tpu.memory_space<hbm>>
      %dma_start3A_19 = arith.constant 0 : i32
      %dma_start3A_20 = tpu.memref_slice %arg4[%add3A_10, %dma_start3A_19] : memref<4096x1152xf32, #tpu.memory_space<hbm>> -> memref<64x1152xf32, #tpu.memory_space<hbm>>
      tpu.enqueue_dma source(%arg6 : memref<64x1152xf32, #tpu.memory_space<vmem>>) target(%dma_start3A_20 : memref<64x1152xf32, #tpu.memory_space<hbm>>) target_semaphore(%run_scoped3A : memref<!tpu.dma_semaphore, #tpu.memory_space<semaphore_mem>>)
      %dma_wait3A_21 = arith.constant 0 : i32
      %dma_wait3A_22 = tpu.memref_slice %arg4[%add3A_10, %dma_wait3A_21] : memref<4096x1152xf32, #tpu.memory_space<hbm>> -> memref<64x1152xf32, #tpu.memory_space<hbm>>
      %dma_wait3A_23 = arith.constant 0 : i32
      %dma_wait3A_24 = tpu.memref_slice %arg4[%add3A_10, %dma_wait3A_23] : memref<4096x1152xf32, #tpu.memory_space<hbm>> -> memref<64x1152xf32, #tpu.memory_space<hbm>>
      tpu.wait_dma2 semaphore(%run_scoped3A : memref<!tpu.dma_semaphore, #tpu.memory_space<semaphore_mem>>) src(%arg6 : memref<64x1152xf32, #tpu.memory_space<vmem>>) dst(%dma_wait3A_24 : memref<64x1152xf32, #tpu.memory_space<hbm>>)
      tpu.yield
    }) : () -> ()
    return
  }
}

module attributes {stable_mosaic.version = 14 : i64} {
  func.func @_tc_body(%arg0: i32, %arg1: memref<512x768xf32, #tpu.memory_space<vmem>>, %arg2: memref<512x1152xf32, #tpu.memory_space<vmem>>, %arg3: memref<768x1152xf32, #tpu.memory_space<vmem>>, %arg4: memref<1x1152xf32, #tpu.memory_space<vmem>>, %arg5: memref<1152x1152xf32, #tpu.memory_space<vmem>>, %arg6: memref<1x1152xf32, #tpu.memory_space<vmem>>, %arg7: memref<1152x1152xf32, #tpu.memory_space<vmem>>, %arg8: memref<1x1152xf32, #tpu.memory_space<vmem>>, %arg9: memref<512x1152xf32, #tpu.memory_space<vmem>>, %arg10: memref<512x1152xf32, #tpu.memory_space<vmem>>, %arg11: memref<512x1152xf32, #tpu.memory_space<vmem>>) attributes {dimension_semantics = [#tpu.dimension_semantics<arbitrary>], iteration_bounds = array<i64: 8>, scalar_prefetch = 0 : i64, scratch_operands = 0 : i64, tpu.core_type = #tpu.core_type<tc>, window_params = [{transform_indices = @transform_0, window_bounds = array<i64: 512, 768>}, {transform_indices = @transform_1, window_bounds = array<i64: 512, 1152>}, {pipeline_mode = #tpu.pipeline_mode<synchronous>, transform_indices = @transform_2, window_bounds = array<i64: 768, 1152>}, {pipeline_mode = #tpu.pipeline_mode<synchronous>, transform_indices = @transform_3, window_bounds = array<i64: 1, 1152>}, {pipeline_mode = #tpu.pipeline_mode<synchronous>, transform_indices = @transform_4, window_bounds = array<i64: 1152, 1152>}, {pipeline_mode = #tpu.pipeline_mode<synchronous>, transform_indices = @transform_5, window_bounds = array<i64: 1, 1152>}, {pipeline_mode = #tpu.pipeline_mode<synchronous>, transform_indices = @transform_6, window_bounds = array<i64: 1152, 1152>}, {pipeline_mode = #tpu.pipeline_mode<synchronous>, transform_indices = @transform_7, window_bounds = array<i64: 1, 1152>}, {transform_indices = @transform_8, window_bounds = array<i64: 512, 1152>}, {transform_indices = @transform_9, window_bounds = array<i64: 512, 1152>}, {transform_indices = @transform_10, window_bounds = array<i64: 512, 1152>}]} {
    %get3A = arith.constant 0 : index
    %get3A_0 = arith.constant 0 : index
    %get3A_1 = vector.load %arg1[%get3A, %get3A_0] : memref<512x768xf32, #tpu.memory_space<vmem>>, vector<512x768xf32>
    %get3A_2 = arith.constant 0 : index
    %get3A_3 = arith.constant 0 : index
    %get3A_4 = vector.load %arg3[%get3A_2, %get3A_3] : memref<768x1152xf32, #tpu.memory_space<vmem>>, vector<768x1152xf32>
    %dot_general3A = arith.constant dense<0.000000e+00> : vector<512x1152xf32>
    %dot_general3A_5 = tpu.matmul %get3A_1, %get3A_4, %dot_general3A {dimension_numbers = #tpu.dot_dimension_numbers<[1], [0], [0], [1], [0, 0, 1, 1], [], []>, transpose_lhs_hint = false} : vector<512x768xf32>, vector<768x1152xf32>, vector<512x1152xf32> -> vector<512x1152xf32>
    %get3A_6 = arith.constant 0 : index
    %get3A_7 = arith.constant 0 : index
    %get3A_8 = vector.load %arg4[%get3A_6, %get3A_7] : memref<1x1152xf32, #tpu.memory_space<vmem>>, vector<1x1152xf32>
    %add3A = vector.broadcast %get3A_8 : vector<1x1152xf32> to vector<512x1152xf32>
    %add3A_9 = arith.addf %dot_general3A_5, %add3A : vector<512x1152xf32>
    %max3A = arith.constant 0.000000e+00 : f32
    %max3A_10 = vector.broadcast %max3A : f32 to vector<512x1152xf32>
    %max3A_11 = arith.maximumf %add3A_9, %max3A_10 : vector<512x1152xf32>
    %get3A_12 = arith.constant 0 : index
    %get3A_13 = arith.constant 0 : index
    %get3A_14 = vector.load %arg5[%get3A_12, %get3A_13] : memref<1152x1152xf32, #tpu.memory_space<vmem>>, vector<1152x1152xf32>
    %dot_general3A_15 = arith.constant dense<0.000000e+00> : vector<512x1152xf32>
    %dot_general3A_16 = tpu.matmul %max3A_11, %get3A_14, %dot_general3A_15 {dimension_numbers = #tpu.dot_dimension_numbers<[1], [0], [0], [1], [0, 0, 1, 1], [], []>, transpose_lhs_hint = false} : vector<512x1152xf32>, vector<1152x1152xf32>, vector<512x1152xf32> -> vector<512x1152xf32>
    %get3A_17 = arith.constant 0 : index
    %get3A_18 = arith.constant 0 : index
    %get3A_19 = vector.load %arg6[%get3A_17, %get3A_18] : memref<1x1152xf32, #tpu.memory_space<vmem>>, vector<1x1152xf32>
    %add3A_20 = vector.broadcast %get3A_19 : vector<1x1152xf32> to vector<512x1152xf32>
    %add3A_21 = arith.addf %dot_general3A_16, %add3A_20 : vector<512x1152xf32>
    %get3A_22 = arith.constant 0 : index
    %get3A_23 = arith.constant 0 : index
    %get3A_24 = vector.load %arg7[%get3A_22, %get3A_23] : memref<1152x1152xf32, #tpu.memory_space<vmem>>, vector<1152x1152xf32>
    %dot_general3A_25 = arith.constant dense<0.000000e+00> : vector<512x1152xf32>
    %dot_general3A_26 = tpu.matmul %max3A_11, %get3A_24, %dot_general3A_25 {dimension_numbers = #tpu.dot_dimension_numbers<[1], [0], [0], [1], [0, 0, 1, 1], [], []>, transpose_lhs_hint = false} : vector<512x1152xf32>, vector<1152x1152xf32>, vector<512x1152xf32> -> vector<512x1152xf32>
    %get3A_27 = arith.constant 0 : index
    %get3A_28 = arith.constant 0 : index
    %get3A_29 = vector.load %arg8[%get3A_27, %get3A_28] : memref<1x1152xf32, #tpu.memory_space<vmem>>, vector<1x1152xf32>
    %add3A_30 = vector.broadcast %get3A_29 : vector<1x1152xf32> to vector<512x1152xf32>
    %add3A_31 = arith.addf %dot_general3A_26, %add3A_30 : vector<512x1152xf32>
    %swap3A = arith.constant 0 : index
    %swap3A_32 = arith.constant 0 : index
    %swap3A_33 = vector.load %arg10[%swap3A, %swap3A_32] : memref<512x1152xf32, #tpu.memory_space<vmem>>, vector<512x1152xf32>
    tpu.vector_store %arg10[%swap3A, %swap3A_32], %add3A_21 {strides = array<i32>} : memref<512x1152xf32, #tpu.memory_space<vmem>>, vector<512x1152xf32>,
    %exp3A = math.exp %add3A_31 : vector<512x1152xf32>
    %swap3A_34 = arith.constant 0 : index
    %swap3A_35 = arith.constant 0 : index
    %swap3A_36 = vector.load %arg11[%swap3A_34, %swap3A_35] : memref<512x1152xf32, #tpu.memory_space<vmem>>, vector<512x1152xf32>
    tpu.vector_store %arg11[%swap3A_34, %swap3A_35], %exp3A {strides = array<i32>} : memref<512x1152xf32, #tpu.memory_space<vmem>>, vector<512x1152xf32>,
    %get3A_37 = arith.constant 0 : index
    %get3A_38 = arith.constant 0 : index
    %get3A_39 = vector.load %arg2[%get3A_37, %get3A_38] : memref<512x1152xf32, #tpu.memory_space<vmem>>, vector<512x1152xf32>
    %add3A_40 = arith.addf %add3A_21, %get3A_39 : vector<512x1152xf32>
    %swap3A_41 = arith.constant 0 : index
    %swap3A_42 = arith.constant 0 : index
    %swap3A_43 = vector.load %arg9[%swap3A_41, %swap3A_42] : memref<512x1152xf32, #tpu.memory_space<vmem>>, vector<512x1152xf32>
    tpu.vector_store %arg9[%swap3A_41, %swap3A_42], %add3A_40 {strides = array<i32>} : memref<512x1152xf32, #tpu.memory_space<vmem>>, vector<512x1152xf32>,
    return
  }
  func.func @transform_0(%arg0: i32) -> (i32, i32) {
    %c0_i32 = arith.constant 0 : i32
    %c0_i32_0 = arith.constant 0 : i32
    return %arg0, %c0_i32 : i32, i32
  }
  func.func @transform_1(%arg0: i32) -> (i32, i32) {
    %c0_i32 = arith.constant 0 : i32
    %c0_i32_0 = arith.constant 0 : i32
    return %arg0, %c0_i32 : i32, i32
  }
  func.func @transform_2(%arg0: i32) -> (i32, i32) {
    %c0_i32 = arith.constant 0 : i32
    %c0_i32_0 = arith.constant 0 : i32
    %c0_i32_1 = arith.constant 0 : i32
    return %c0_i32, %c0_i32_0 : i32, i32
  }
  func.func @transform_3(%arg0: i32) -> (i32, i32) {
    %c0_i32 = arith.constant 0 : i32
    %c0_i32_0 = arith.constant 0 : i32
    %c0_i32_1 = arith.constant 0 : i32
    return %c0_i32, %c0_i32_0 : i32, i32
  }
  func.func @transform_4(%arg0: i32) -> (i32, i32) {
    %c0_i32 = arith.constant 0 : i32
    %c0_i32_0 = arith.constant 0 : i32
    %c0_i32_1 = arith.constant 0 : i32
    return %c0_i32, %c0_i32_0 : i32, i32
  }
  func.func @transform_5(%arg0: i32) -> (i32, i32) {
    %c0_i32 = arith.constant 0 : i32
    %c0_i32_0 = arith.constant 0 : i32
    %c0_i32_1 = arith.constant 0 : i32
    return %c0_i32, %c0_i32_0 : i32, i32
  }
  func.func @transform_6(%arg0: i32) -> (i32, i32) {
    %c0_i32 = arith.constant 0 : i32
    %c0_i32_0 = arith.constant 0 : i32
    %c0_i32_1 = arith.constant 0 : i32
    return %c0_i32, %c0_i32_0 : i32, i32
  }
  func.func @transform_7(%arg0: i32) -> (i32, i32) {
    %c0_i32 = arith.constant 0 : i32
    %c0_i32_0 = arith.constant 0 : i32
    %c0_i32_1 = arith.constant 0 : i32
    return %c0_i32, %c0_i32_0 : i32, i32
  }
  func.func @transform_8(%arg0: i32) -> (i32, i32) {
    %c0_i32 = arith.constant 0 : i32
    %c0_i32_0 = arith.constant 0 : i32
    return %arg0, %c0_i32 : i32, i32
  }
  func.func @transform_9(%arg0: i32) -> (i32, i32) {
    %c0_i32 = arith.constant 0 : i32
    %c0_i32_0 = arith.constant 0 : i32
    return %arg0, %c0_i32 : i32, i32
  }
  func.func @transform_10(%arg0: i32) -> (i32, i32) {
    %c0_i32 = arith.constant 0 : i32
    %c0_i32_0 = arith.constant 0 : i32
    return %arg0, %c0_i32 : i32, i32
  }
}

</mosaic_0001>

<sc_bundles>
// kernel: kernel.4.cloned.1.call-start
scs
__scs_entry_jumppad:
0x0: {  	(pc) =	sbr.rel $0x88, $3  }
0x1: {  	(tag) =	ssettag $0x0;
	lr =	simm.s32 $0x1  }
0x2: {  	[smem:$0x3F98] =	sst lr;
	_ =	strace $0xD0000000  }
0x3: {  	_ = 	snop  }
0x4: {  	_ = 	snop  }
0x5: {  	_ = 	snop  }
0x6: {  	_ = 	snop  }
0x7: {  	_ = 	snop  }
__scs_overlays_trampoline_lowered:
0x8: {  	[smem:$0x3FA7] =	sst s0  }
0x9: {  	[smem:$0x3FA8] =	sst s1  }
0xa: {  	[smem:$0x3FA9] =	sst s2  }
0xb: {  	[smem:$0x3FAA] =	sst s3  }
0xc: {  	[smem:$0x3FAB] =	sst s4  }
0xd: {  	[smem:$0x3FAC] =	sst s5  }
0xe: {  	[smem:$0x3FAD] =	sst s6  }
0xf: {  	[smem:$0x3FAE] =	sst s7  }
0x10: {  	[smem:$0x3FAF] =	sst s8  }
0x11: {  	[smem:$0x3FB0] =	sst s9;
	s0 =	simm.s32 @!p0 $0x0  }
0x12: {  	s1 =	sld [smem:$0x3F96];
	s0 =	simm.s32 @p0 $0x1  }
0x13: {  	[smem:$0x3FB1] =	sst s0;
	s0 =	simm.s32 @!p1 $0x0  }
0x14: {  	s2 =	sld [smem:$0x3F95];
	s0 =	simm.s32 @p1 $0x1  }
0x15: {  	[smem:$0x3FB2] =	sst s0;
	s0 =	simm.s32 @!p2 $0x0  }
0x16: {  	s3 =	sld [smem:$0x3FDB];
	s0 =	simm.s32 @p2 $0x1  }
0x17: {  	s4 =	simm.s32 $0x1BF5;
	[smem:$0x3FB4] =	sst s0  }
0x18: {  	s0 =	sld [smem:$0x3F97];
	_ =	swait.ge [sflag:s4], $0x0  }
0x19: {  	s7 =	sld [smem:$0x3F98]  }
0x1a: {  	s8 =	sadd.s32 $0xFFFFE003, lr  }
0x1b: {  	s9 =	sadd.s32 $0xFFFFFEF7, lr;
	s5 =	simm.s32 $0xFFFFFFFF;
	p2 =	slt.u32 s8, $0xFFFFF086  }
0x1c: {  	p1 =	slt.u32 s9, $0xF7A;
	s5 =	simm.s32 @!p2 $0x0  }
0x1d: {  	s5 =	simm.s32 @p1 $0x1;
	p0 =	seq.s32 s7, s2  }
0x1e: {  	s7 =	smul.u32 @!p0 $0xF7A, s2;
	p2 =	seq.s32 @!p0 s5, $0x0  }
0x1f: {  	s9 =	smul.u32 $0xF7A, s1;
	s8 =	simm.s32 @!p0 $0x1BF5;
	p2 =	por !p2, p0  }
0x20: {  	[sflag:s8] =	ssyncset.s32 @!p0 $0xFFFFF086;
	s6 =	sadd.s32 @!p0 s3, s7;
	s7 =	simm.s32 @!p0 $0x108  }
0x21: {  	s3 =	sadd.s32 s3, s9;
	s6 =	sadd.s32 @!p0 $0x88, s6;
	s7 =	simm.s32 @p2 $0x1082  }
0x22: {  	[simem:s7], [sflag:s8] =	dma.local @!p0 [hbm:s6], $0xF7A  }
0x23: {  	s9 =	sor.u32 $0xD0000000, s2;
	s6 =	simm.s32 $0x108;
	_ =	swait.ge @!p0 [sflag:s8], $0x0  }
0x24: {  	s3 =	sadd.s32 $0x88, s3;
	s6 =	simm.s32 @!p1 $0x1082;
	[sflag:s4] =	ssyncset.s32 $0xFFFFF086  }
0x25: {  	[simem:s6], [sflag:s4] =	dma.local [hbm:s3], $0xF7A  }
0x26: {  	[smem:$0x3F98] =	sst s1;
	(tag) =	ssettag s2;
	_ =	strace s9  }
0x27: {  	s1 =	sld [smem:$0x3FA8]  }
0x28: {  	s2 =	sld [smem:$0x3FA9]  }
0x29: {  	s4 =	sld [smem:$0x3FAB]  }
0x2a: {  	p0 =	seq.s32 s5, $0x0;
	s5 =	sld [smem:$0x3FAC]  }
0x2b: {  	s6 =	sld [smem:$0x3FAD]  }
0x2c: {  	s7 =	sld [smem:$0x3FAE]  }
0x2d: {  	s3 =	simm.s32 $0x108;
	s8 =	sld [smem:$0x3FAF]  }
0x2e: {  	s3 =	simm.s32 @!p0 $0x1082;
	s9 =	sld [smem:$0x3FB0]  }
0x2f: {  	lr =	sadd.s32 s0, s3;
	s0 =	sld [smem:$0x3FA7]  }
0x30: {  	s3 =	sld [smem:$0x3FAA]  }
0x31: {  	[smem:$0x3FB3] =	sst s10  }
0x32: {  	s10 =	sld [smem:$0x3FB1];
	_ =	sdelay $0x3  }
0x33: {  	p0 =	seq.s32 s10, $0x1;
	s10 =	sld [smem:$0x3FB3];
	_ =	sdelay $0x3  }
0x34: {  	[smem:$0x3FB3] =	sst s10  }
0x35: {  	s10 =	sld [smem:$0x3FB2];
	_ =	sdelay $0x3  }
0x36: {  	p1 =	seq.s32 s10, $0x1;
	s10 =	sld [smem:$0x3FB3];
	_ =	sdelay $0x3  }
0x37: {  	[smem:$0x3FB3] =	sst s10  }
0x38: {  	s10 =	sld [smem:$0x3FB4]  }
0x39: {  	_ = 	snop;
	(pc) =	sbr.ind lr, $3  }
0x3a: {  	_ = 	snop  }
0x3b: {  	_ = 	snop  }
0x3c: {  	p2 =	seq.s32 s10, $0x1;
	s10 =	sld [smem:$0x3FB3]  }
0x3d: {  	_ =	shalt  }
0x3e: {  	_ =	shalt  }
0x3f: {  	_ =	shalt  }
0x40: {  	_ =	shalt  }
0x41: {  	_ =	shalt  }
0x42: {  	_ =	shalt  }
0x43: {  	_ =	shalt  }
0x44: {  	_ =	shalt  }
0x45: {  	_ =	shalt  }
0x46: {  	_ =	shalt  }
0x47: {  	_ =	shalt  }
0x48: {  	_ =	shalt  }
0x49: {  	_ =	shalt  }
0x4a: {  	_ =	shalt  }
0x4b: {  	_ =	shalt  }
0x4c: {  	_ =	shalt  }
0x4d: {  	_ =	shalt  }
0x4e: {  	_ =	shalt  }
0x4f: {  	_ =	shalt  }
0x50: {  	_ =	shalt  }
0x51: {  	_ =	shalt  }
0x52: {  	_ =	shalt  }
0x53: {  	_ =	shalt  }
0x54: {  	_ =	shalt  }
0x55: {  	_ =	shalt  }
0x56: {  	_ =	shalt  }
0x57: {  	_ =	shalt  }
0x58: {  	_ =	shalt  }
0x59: {  	_ =	shalt  }
0x5a: {  	_ =	shalt  }
0x5b: {  	_ =	shalt  }
0x5c: {  	_ =	shalt  }
0x5d: {  	_ =	shalt  }
0x5e: {  	_ =	shalt  }
0x5f: {  	_ =	shalt  }
0x60: {  	_ =	shalt  }
0x61: {  	_ =	shalt  }
0x62: {  	_ =	shalt  }
0x63: {  	_ =	shalt  }
0x64: {  	_ =	shalt  }
0x65: {  	_ =	shalt  }
0x66: {  	_ =	shalt  }
0x67: {  	_ =	shalt  }
0x68: {  	_ =	shalt  }
0x69: {  	_ =	shalt  }
0x6a: {  	_ =	shalt  }
0x6b: {  	_ =	shalt  }
0x6c: {  	_ =	shalt  }
0x6d: {  	_ =	shalt  }
0x6e: {  	_ =	shalt  }
0x6f: {  	_ =	shalt  }
0x70: {  	_ =	shalt  }
0x71: {  	_ =	shalt  }
0x72: {  	_ =	shalt  }
0x73: {  	_ =	shalt  }
0x74: {  	_ =	shalt  }
0x75: {  	_ =	shalt  }
0x76: {  	_ =	shalt  }
0x77: {  	_ =	shalt  }
0x78: {  	_ =	shalt  }
0x79: {  	_ =	shalt  }
0x7a: {  	_ =	shalt  }
0x7b: {  	_ =	shalt  }
0x7c: {  	_ =	shalt  }
0x7d: {  	_ =	shalt  }
0x7e: {  	_ =	shalt  }
0x7f: {  	_ =	shalt  }
0x80: {  	_ =	shalt  }
0x81: {  	_ =	shalt  }
0x82: {  	_ =	shalt  }
0x83: {  	_ =	shalt  }
0x84: {  	_ =	shalt  }
0x85: {  	_ =	shalt  }
0x86: {  	_ =	shalt  }
0x87: {  	_ =	shalt  }
.Lfunc_end0:
.L_simem_size_0:
called_computation_lowered:
.L_overlay_start_0:
0x88: {  	s2 =	sld [smem:$0x3FD9]  }
0x89: {  	s3 =	sld [smem:$0x3FFE];
	_ =	sdelay $0x1  }
0x8a: {  	s1 =	srdreg.scid  }
0x8b: {  	s0 =	sand.u32 $0x1, s1  }
0x8c: {  	s17 =	sshll.u32 s0, $0xA;
	s2 =	sadd.s32 s3, s2  }
0x8d: {  	s2 =	sadd.s32 s2, s17  }
0x8e: {  	[smem:$0x3FBF] =	sst s2  }
0x8f: {  	_ = 	snop  }
0x90: {  	s2 =	sld [smem:$0x3FC8]  }
0x91: {  	s18 =	sld [smem:$0x3FC1];
	(tm) =	ssettm $0x1  }
0x92: {  	s4 =	sld [smem:$0x3FFB];
	_ =	sdelay $0x3  }
0x93: {  	_ =	strace s4  }
0x94: {  	s4 =	sld [smem:$0x3FFC];
	_ =	sdelay $0x3  }
0x95: {  	_ =	strace s4  }
0x96: {  	s4 =	sld [smem:$0x3FFD];
	_ =	sdelay $0x3  }
0x97: {  	_ =	strace s4  }
0x98: {  	_ =	strace $0x8FFFFFFF  }
0x99: {  	s19 =	sld [smem:$0x3FDB];
	_ =	sdelay $0x1  }
0x9a: {  	s5 =	simm.s32 $_scs_section_size  }
0x9b: {  	s6 =	simm.s32 $_size__tile_overlayer_lowered;
	s7 =	simm.s32 $_tile_overlayer_lowered  }
0x9c: {  	s22 =	simm.s32 $0x1BFF;
	s21 =	sshll.u32 s7, $0x1;
	s4 =	sadd.s32 s5, s19  }
0x9d: {  	s8 =	simm.s32 $0x0;
	s20 =	sshll.u32 s6, $0x1;
	s6 =	sadd.s32 s21, s4  }
0x9e: {  	[timem:s8], [sflag:s22] =	dma.local [hbm:s6], s20  }
0x9f: {  	_ =	swait.ge [sflag:s22], s20  }
0xa0: {  	s5 =	ssub.s32 $0x0, s20;
	[sflag:s22] =	ssyncset.done $0x0  }
0xa1: {  	[sflag:s22] =	ssyncadd.s32 s5;
	_ =	sdelay $0x1  }
0xa2: {  	s23 =	simm.s32 $0x1B8B  }
0xa3: {  	_ =	swait.ge [sflag:s23], $0x1  }
0xa4: {  	[sflag:s23] =	ssyncset.done $0x0  }
0xa5: {  	s25 =	simm.s32 $0x1B8E;
	s24 =	sld [smem:$0x3FFE];
	[sflag:s23] =	ssyncadd.s32 $0xFFFFFFFF  }
0xa6: {  	s26 =	simm.s32 $execute0_lowered;
	[smem:$0x3FD2] =	sst s25  }
0xa7: {  	s6 =	sshll.u32 s26, $0x1;
	_ =	strace $0x80000046;
	[dreg:$0x1] =	wrdreg $0xFFFFFFFF  }
0xa8: {  	s28 =	simm.s32 $_size_execute0_lowered;
	s4 =	sadd.s32 s4, s6;
	[dreg:$0x0] =	wrdreg $0x0  }
0xa9: {  	s6 =	sshll.u32 s28, $0x1;
	[dreg:$0x2] =	wrdreg s4  }
0xaa: {  	[dreg:$0x3] =	wrdreg s6  }
0xab: {  	[dreg:$0x4] =	wrdreg $0xC0  }
0xac: {  	_ =	task [dreg:s8], $0x5FFFF  }
0xad: {  	[dreg:$0x1] =	wrdreg $0xFFFFFFFF  }
0xae: {  	[dreg:$0x0] =	wrdreg $0x60  }
0xaf: {  	[dreg:$0x2] =	wrdreg s18  }
0xb0: {  	[dreg:$0x3] =	wrdreg s2  }
0xb1: {  	[dreg:$0x4] =	wrdreg s24  }
0xb2: {  	[dreg:$0x5] =	wrdreg $0x9  }
0xb3: {  	_ =	task.clear_ibuf [dreg:s8], $0x6FFFF;
	_ =	strace $0x90000046  }
0xb4: {  	s29 =	simm.s32 $0x9;
	_ =	strace $0x80000048  }
0xb5: {  	_ =	swait.ge [sflag:s29], $0x1  }
0xb6: {  	[sflag:s29] =	ssyncadd.s32 $0xFFFFFFFF  }
0xb7: {  	_ =	strace $0x90000048  }
0xb8: {  	_ =	sfence  }
0xb9: {  	s30 =	sld [smem:$0x0];
	_ =	sdelay $0x2  }
0xba: {  	s31 =	sshll.u32 s1, $0xD;
	s1 =	sshrl.u32 s1, $0x2  }
0xbb: {  	s3 =	sand.u32 $0x4000, s31;
	s1 =	sadd.s32 s1, s30  }
0xbc: {  	s0 =	sor.u32 s3, s0;
	s1 =	sshll.u32 s1, $0x11  }
0xbd: {  	s0 =	sor.u32 s1, s0  }
0xbe: {  	s0 =	sadd.s32 $0x8F2B, s0  }
0xbf: {  	[sflag:s0] =	ssyncadd.remote.s32 $0x1  }
0xc0: {  	_ =	sfence.sel $0xFFFF  }
0xc1: {  	[dreg:$0x0] =	wrdreg $0xFFFFFFFF;
	(pc) =	sbr.abs _section_cstart, $3  }
0xc2: {  	[dreg:$0x1] =	wrdreg $0xFFFFFFFF  }
0xc3: {  	_ =	task.clear_ibuf [dreg:s8], $0x2FFFF;
	_ =	strace $0x9FFFFFFF  }
0xc4: {  	(tm) =	ssettm $0x7FFFFFFF  }
0xc5: {  	_ =	shalt  }
tec
execute0_lowered:
.L_overlay_start_1:
0x0: {  	(tag) =	ssettag $0x1  }
0x1: {  	s1 =	rddreg [dreg:$0x0]  }
0x2: {  	s0 =	rddreg [dreg:$0x1]  }
0x3: {  	s2 =	rddreg [dreg:$0x2]  }
0x4: {  	s3 =	simm.s32 $0x0;
	s4 =	srdreg.scid;
	s5 =	stileid.u32  }
0x5: {  	s29 =	simm.s32 $0x1;
	s31 =	simm.s32 $0x880;
	s11 =	simm.s32 $0x2080  }
0x6: {  	s12 =	simm.s32 $0x2480;
	s13 =	simm.s32 $0x2C80;
	s14 =	simm.s32 $0x3480  }
0x7: {  	s15 =	simm.s32 $0x3C80;
	s16 =	simm.s32 $0x4480;
	s17 =	simm.s32 $0x4880  }
0x8: {  	s18 =	simm.s32 $0x5080;
	s19 =	simm.s32 $0x5880;
	s20 =	simm.s32 $0x6080  }
0x9: {  	s21 =	simm.s32 $0x6880;
	s22 =	simm.s32 $0x6C80;
	s28 =	simm.s32 $0x9080  }
0xa: {  	s10 =	simm.s32 $0x9880;
	[smem:$0x7FF] =	sst s3;
	s4 =	sand.u32 $0x1, s4  }
0xb: {  	s5 =	sshll.u32 s5, $0x5;
	s2 =	sadd.s32 $0x1000, s2;
	s6 =	sshll.u32 s4, $0x4  }
0xc: {  	_ =	strace $0x80000047;
	s4 =	ssub.s32 $0x2, s4;
	s5 =	sor.u32 s6, s5  }
0xd: {  	s23 =	sshrl.u32 s4, $0x1;
	s6 =	sadd.s32 $0x300, s1;
	s7 =	sadd.s32 s0, s5  }
0xe: {  	s8 =	smul.u32 $0x480, s5;
	s9 =	ssub.s32 s4, s23;
	s24 =	sor.u32 $0x8, s5  }
0xf: {  	s4 =	sadd.s32 $0x100, s1;
	s5 =	sadd.s32 $0x200, s1;
	s23 =	simm.s32 $0x7480  }
0x10: {  	[dreg:$0x4] =	wrdreg s7;
	s26 =	smul.u32 $0x480, s24;
	s0 =	sadd.s32 s0, s24  }
0x11: {  	s7 =	sadd.s32 $0x400, s1;
	s24 =	simm.s32 $0x7C80;
	s25 =	sadd.s32 s2, s8  }
0x12: {  	v2 =	vlaneseq.u32;
	[dreg:$0x6] =	wrdreg s0;
	s8 =	smax.u32 s9, $0x1;
	s9 =	simm.s32 $0x2  }
0x13: {  	vm0 =	vmmov $0xffff;
	vm1 =	vmmov $0xff;
	v1 =	vshrl.u32 v2, $0x3;
	s0 =	simm.s32 $0x80;
	[dreg:$0x5] =	wrdreg s25;
	s30 =	sadd.s32 s2, s26  }
0x14: {  	v0 =	vand.u32 $0x7, v2;
	v2 =	vor.u32 $0x8, v2;
	v1 =	vmul.u32 $0x8, v1;
	s25 =	simm.s32 $0x8480;
	s26 =	simm.s32 $0x8C80;
	[dreg:$0x7] =	wrdreg s30  }
.LBB2_1:
0x15: {  	s30 =	rddreg [dreg:$0x4]  }
0x16: {  	[tilespmem:s3], [sflag:$0x2] =	stream.linear.gather [hbm4b:s30+s3], $0x40, $0x38;
	[tilespmem:$0x12080] =	vst v63  }
0x17: {  	_ =	swait.ge [sflag:s9], $0x40  }
0x18: {  	[sflag:s9] =	ssyncset.done $0x0  }
0x19: {  	[sflag:s9] =	ssyncadd.s32 $0xFFFFFFC0  }
0x1a: {  	v3 =	vld [tilespmem:$0x0];
	_ =	sdelay $0x4  }
0x1b: {  	v4 =	vshrl.u32 v3, $0x3  }
0x1c: {  	v4 =	vmul.u32 $0x48, v4  }
0x1d: {  	v3 =	vand.u32 $0x7, v3  }
0x1e: {  	v3 =	vor.u32 v3, v4  }
0x1f: {  	v4 =	vperm.xlane v3, v0;
	_ =	sdelay $0x1  }
0x20: {  	v4 =	vadd.s32 v1, v4;
	_ =	sdelay $0x4  }
0x21: {  	[tilespmem:s0], [sflag:$0x1] =	stream.indirect_vreg.gather [hbm4b:s1+s3], $0x80, v4, vm0, $0xb8;
	[tilespmem:$0x12080] =	vst v63  }
0x22: {  	_ = 	snop  }
0x23: {  	[tilespmem:s31], [sflag:$0x1] =	stream.indirect_vreg.gather [hbm4b:s4+s3], $0x80, v4, vm0, $0xb8;
	[tilespmem:$0x12080] =	vst v63  }
0x24: {  	s2 =	simm.s32 $0x1080;
	v3 =	vperm.xlane v3, v2  }
0x25: {  	[tilespmem:s2], [sflag:$0x1] =	stream.indirect_vreg.gather [hbm4b:s5+s3], $0x80, v4, vm0, $0xb8;
	[tilespmem:$0x12080] =	vst v63  }
0x26: {  	v3 =	vadd.s32 v1, v3;
	s2 =	simm.s32 $0x1880  }
0x27: {  	[tilespmem:s2], [sflag:$0x1] =	stream.indirect_vreg.gather [hbm4b:s6+s3], $0x80, v4, vm0, $0xb8;
	[tilespmem:$0x12080] =	vst v63  }
0x28: {  	_ = 	snop  }
0x29: {  	[tilespmem:s11], [sflag:$0x1] =	stream.indirect_vreg.gather [hbm4b:s7+s3], $0x80, v4, vm1, $0xb8;
	[tilespmem:$0x12080] =	vst v63  }
0x2a: {  	_ = 	snop  }
0x2b: {  	[tilespmem:s12], [sflag:$0x1] =	stream.indirect_vreg.gather [hbm4b:s1+s3], $0x80, v3, vm0, $0xb8;
	[tilespmem:$0x12080] =	vst v63  }
0x2c: {  	_ = 	snop  }
0x2d: {  	[tilespmem:s13], [sflag:$0x1] =	stream.indirect_vreg.gather [hbm4b:s4+s3], $0x80, v3, vm0, $0xb8;
	[tilespmem:$0x12080] =	vst v63  }
0x2e: {  	_ = 	snop  }
0x2f: {  	[tilespmem:s14], [sflag:$0x1] =	stream.indirect_vreg.gather [hbm4b:s5+s3], $0x80, v3, vm0, $0xb8;
	[tilespmem:$0x12080] =	vst v63  }
0x30: {  	_ = 	snop  }
0x31: {  	[tilespmem:s15], [sflag:$0x1] =	stream.indirect_vreg.gather [hbm4b:s6+s3], $0x80, v3, vm0, $0xb8;
	[tilespmem:$0x12080] =	vst v63  }
0x32: {  	_ = 	snop  }
0x33: {  	[tilespmem:s16], [sflag:$0x1] =	stream.indirect_vreg.gather [hbm4b:s7+s3], $0x80, v3, vm1, $0xb8;
	[tilespmem:$0x12080] =	vst v63  }
0x34: {  	v3 =	vld [tilespmem:$0x10];
	_ =	sdelay $0x4  }
0x35: {  	v57 =	vshrl.u32 v3, $0x3  }
0x36: {  	v4 =	vmul.u32 $0x48, v57  }
0x37: {  	v3 =	vand.u32 $0x7, v3  }
0x38: {  	v3 =	vor.u32 v3, v4  }
0x39: {  	v4 =	vperm.xlane v3, v0;
	_ =	sdelay $0x1  }
0x3a: {  	v4 =	vadd.s32 v1, v4;
	_ =	sdelay $0x4  }
0x3b: {  	[tilespmem:s17], [sflag:$0x1] =	stream.indirect_vreg.gather [hbm4b:s1+s3], $0x80, v4, vm0, $0xb8;
	[tilespmem:$0x12080] =	vst v63  }
0x3c: {  	_ = 	snop  }
0x3d: {  	[tilespmem:s18], [sflag:$0x1] =	stream.indirect_vreg.gather [hbm4b:s4+s3], $0x80, v4, vm0, $0xb8;
	[tilespmem:$0x12080] =	vst v63  }
0x3e: {  	v3 =	vperm.xlane v3, v2  }
0x3f: {  	[tilespmem:s19], [sflag:$0x1] =	stream.indirect_vreg.gather [hbm4b:s5+s3], $0x80, v4, vm0, $0xb8;
	[tilespmem:$0x12080] =	vst v63  }
0x40: {  	v3 =	vadd.s32 v1, v3  }
0x41: {  	[tilespmem:s20], [sflag:$0x1] =	stream.indirect_vreg.gather [hbm4b:s6+s3], $0x80, v4, vm0, $0xb8;
	[tilespmem:$0x12080] =	vst v63  }
0x42: {  	_ = 	snop  }
0x43: {  	[tilespmem:s21], [sflag:$0x1] =	stream.indirect_vreg.gather [hbm4b:s7+s3], $0x80, v4, vm1, $0xb8;
	[tilespmem:$0x12080] =	vst v63  }
0x44: {  	_ = 	snop  }
0x45: {  	[tilespmem:s22], [sflag:$0x1] =	stream.indirect_vreg.gather [hbm4b:s1+s3], $0x80, v3, vm0, $0xb8;
	[tilespmem:$0x12080] =	vst v63  }
0x46: {  	_ = 	snop  }
0x47: {  	[tilespmem:s23], [sflag:$0x1] =	stream.indirect_vreg.gather [hbm4b:s4+s3], $0x80, v3, vm0, $0xb8;
	[tilespmem:$0x12080] =	vst v63  }
0x48: {  	_ = 	snop  }
0x49: {  	[tilespmem:s24], [sflag:$0x1] =	stream.indirect_vreg.gather [hbm4b:s5+s3], $0x80, v3, vm0, $0xb8;
	[tilespmem:$0x12080] =	vst v63  }
0x4a: {  	_ = 	snop  }
0x4b: {  	[tilespmem:s25], [sflag:$0x1] =	stream.indirect_vreg.gather [hbm4b:s6+s3], $0x80, v3, vm0, $0xb8;
	[tilespmem:$0x12080] =	vst v63  }
0x4c: {  	_ = 	snop  }
0x4d: {  	[tilespmem:s26], [sflag:$0x1] =	stream.indirect_vreg.gather [hbm4b:s7+s3], $0x80, v3, vm1, $0xb8;
	[tilespmem:$0x12080] =	vst v63  }
0x4e: {  	v3 =	vld [tilespmem:$0x20];
	_ =	sdelay $0x4  }
0x4f: {  	v58 =	vshrl.u32 v3, $0x3  }
0x50: {  	v4 =	vmul.u32 $0x48, v58  }
0x51: {  	v3 =	vand.u32 $0x7, v3  }
0x52: {  	v3 =	vor.u32 v3, v4  }
0x53: {  	v4 =	vperm.xlane v3, v0;
	_ =	sdelay $0x1  }
0x54: {  	v4 =	vadd.s32 v1, v4;
	_ =	sdelay $0x4  }
0x55: {  	[tilespmem:s28], [sflag:$0x1] =	stream.indirect_vreg.gather [hbm4b:s1+s3], $0x80, v4, vm0, $0xb8;
	[tilespmem:$0x12080] =	vst v63  }
0x56: {  	_ = 	snop  }
0x57: {  	[tilespmem:s10], [sflag:$0x1] =	stream.indirect_vreg.gather [hbm4b:s4+s3], $0x80, v4, vm0, $0xb8;
	[tilespmem:$0x12080] =	vst v63  }
0x58: {  	s30 =	simm.s32 $0xA080;
	v3 =	vperm.xlane v3, v2  }
0x59: {  	[tilespmem:s30], [sflag:$0x1] =	stream.indirect_vreg.gather [hbm4b:s5+s3], $0x80, v4, vm0, $0xb8;
	[tilespmem:$0x12080] =	vst v63  }
0x5a: {  	v3 =	vadd.s32 v1, v3;
	s30 =	simm.s32 $0xA880  }
0x5b: {  	[tilespmem:s30], [sflag:$0x1] =	stream.indirect_vreg.gather [hbm4b:s6+s3], $0x80, v4, vm0, $0xb8;
	[tilespmem:$0x12080] =	vst v63  }
0x5c: {  	s30 =	simm.s32 $0xB080  }
0x5d: {  	[tilespmem:s30], [sflag:$0x1] =	stream.indirect_vreg.gather [hbm4b:s7+s3], $0x80, v4, vm1, $0xb8;
	[tilespmem:$0x12080] =	vst v63  }
0x5e: {  	s30 =	simm.s32 $0xB480  }
0x5f: {  	[tilespmem:s30], [sflag:$0x1] =	stream.indirect_vreg.gather [hbm4b:s1+s3], $0x80, v3, vm0, $0xb8;
	[tilespmem:$0x12080] =	vst v63  }
0x60: {  	s30 =	simm.s32 $0xBC80  }
0x61: {  	[tilespmem:s30], [sflag:$0x1] =	stream.indirect_vreg.gather [hbm4b:s4+s3], $0x80, v3, vm0, $0xb8;
	[tilespmem:$0x12080] =	vst v63  }
0x62: {  	s30 =	simm.s32 $0xC480  }
0x63: {  	[tilespmem:s30], [sflag:$0x1] =	stream.indirect_vreg.gather [hbm4b:s5+s3], $0x80, v3, vm0, $0xb8;
	[tilespmem:$0x12080] =	vst v63  }
0x64: {  	s30 =	simm.s32 $0xCC80  }
0x65: {  	[tilespmem:s30], [sflag:$0x1] =	stream.indirect_vreg.gather [hbm4b:s6+s3], $0x80, v3, vm0, $0xb8;
	[tilespmem:$0x12080] =	vst v63  }
0x66: {  	s30 =	simm.s32 $0xD480  }
0x67: {  	[tilespmem:s30], [sflag:$0x1] =	stream.indirect_vreg.gather [hbm4b:s7+s3], $0x80, v3, vm1, $0xb8;
	[tilespmem:$0x12080] =	vst v63  }
0x68: {  	v3 =	vld [tilespmem:$0x30];
	_ =	sdelay $0x4  }
0x69: {  	v59 =	vshrl.u32 v3, $0x3  }
0x6a: {  	v4 =	vmul.u32 $0x48, v59  }
0x6b: {  	v3 =	vand.u32 $0x7, v3  }
0x6c: {  	v3 =	vor.u32 v3, v4  }
0x6d: {  	v4 =	vperm.xlane v3, v0;
	_ =	sdelay $0x1  }
0x6e: {  	v4 =	vadd.s32 v1, v4;
	_ =	sdelay $0x3  }
0x6f: {  	s30 =	simm.s32 $0xD880  }
0x70: {  	[tilespmem:s30], [sflag:$0x1] =	stream.indirect_vreg.gather [hbm4b:s1+s3], $0x80, v4, vm0, $0xb8;
	[tilespmem:$0x12080] =	vst v63  }
0x71: {  	s30 =	simm.s32 $0xE080  }
0x72: {  	[tilespmem:s30], [sflag:$0x1] =	stream.indirect_vreg.gather [hbm4b:s4+s3], $0x80, v4, vm0, $0xb8;
	[tilespmem:$0x12080] =	vst v63  }
0x73: {  	v3 =	vperm.xlane v3, v2;
	s30 =	simm.s32 $0xE880  }
0x74: {  	[tilespmem:s30], [sflag:$0x1] =	stream.indirect_vreg.gather [hbm4b:s5+s3], $0x80, v4, vm0, $0xb8;
	[tilespmem:$0x12080] =	vst v63  }
0x75: {  	v3 =	vadd.s32 v1, v3;
	s30 =	simm.s32 $0xF080  }
0x76: {  	[tilespmem:s30], [sflag:$0x1] =	stream.indirect_vreg.gather [hbm4b:s6+s3], $0x80, v4, vm0, $0xb8;
	[tilespmem:$0x12080] =	vst v63  }
0x77: {  	s30 =	simm.s32 $0xF880  }
0x78: {  	[tilespmem:s30], [sflag:$0x1] =	stream.indirect_vreg.gather [hbm4b:s7+s3], $0x80, v4, vm1, $0xb8;
	[tilespmem:$0x12080] =	vst v63  }
0x79: {  	s30 =	simm.s32 $0xFC80  }
0x7a: {  	[tilespmem:s30], [sflag:$0x1] =	stream.indirect_vreg.gather [hbm4b:s1+s3], $0x80, v3, vm0, $0xb8;
	[tilespmem:$0x12080] =	vst v63  }
0x7b: {  	s30 =	simm.s32 $0x10480  }
0x7c: {  	[tilespmem:s30], [sflag:$0x1] =	stream.indirect_vreg.gather [hbm4b:s4+s3], $0x80, v3, vm0, $0xb8;
	[tilespmem:$0x12080] =	vst v63  }
0x7d: {  	s30 =	simm.s32 $0x10C80  }
0x7e: {  	[tilespmem:s30], [sflag:$0x1] =	stream.indirect_vreg.gather [hbm4b:s5+s3], $0x80, v3, vm0, $0xb8;
	[tilespmem:$0x12080] =	vst v63  }
0x7f: {  	s30 =	simm.s32 $0x11480  }
0x80: {  	[tilespmem:s30], [sflag:$0x1] =	stream.indirect_vreg.gather [hbm4b:s6+s3], $0x80, v3, vm0, $0xb8;
	[tilespmem:$0x12080] =	vst v63  }
0x81: {  	s30 =	simm.s32 $0x11C80  }
0x82: {  	[tilespmem:s30], [sflag:$0x1] =	stream.indirect_vreg.gather [hbm4b:s7+s3], $0x80, v3, vm1, $0xb8;
	[tilespmem:$0x12080] =	vst v63  }
0x83: {  	_ =	swait.ge [sflag:s29], $0x12000  }
0x84: {  	[sflag:s29] =	ssyncset.done $0x0  }
0x85: {  	s30 =	rddreg [dreg:$0x5];
	[sflag:s29] =	ssyncadd.s32 $0xFFFEE000  }
0x86: {  	[hbm4b:s30+s3] =	stream.linear.scatter [tilespmem:s0], [sflag:$0x2], $0x12000, $0x38;
	[tilespmem:$0x12080] =	vst v63  }
0x87: {  	_ =	swait.ge [sflag:s9], $0x12000  }
0x88: {  	[sflag:s9] =	ssyncset.done $0x0  }
0x89: {  	s30 =	rddreg [dreg:$0x6];
	[sflag:s9] =	ssyncadd.s32 $0xFFFEE000  }
0x8a: {  	[tilespmem:s3], [sflag:$0x2] =	stream.linear.gather [hbm4b:s30+s3], $0x40, $0x38;
	[tilespmem:$0x12080] =	vst v63  }
0x8b: {  	_ =	swait.ge [sflag:s9], $0x40  }
0x8c: {  	[sflag:s9] =	ssyncset.done $0x0  }
0x8d: {  	[sflag:s9] =	ssyncadd.s32 $0xFFFFFFC0  }
0x8e: {  	v3 =	vld [tilespmem:$0x0];
	_ =	sdelay $0x4  }
0x8f: {  	v60 =	vshrl.u32 v3, $0x3  }
0x90: {  	v4 =	vmul.u32 $0x48, v60  }
0x91: {  	v3 =	vand.u32 $0x7, v3  }
0x92: {  	v3 =	vor.u32 v3, v4  }
0x93: {  	v4 =	vperm.xlane v3, v0;
	_ =	sdelay $0x1  }
0x94: {  	v4 =	vadd.s32 v1, v4;
	_ =	sdelay $0x4  }
0x95: {  	[tilespmem:s0], [sflag:$0x1] =	stream.indirect_vreg.gather [hbm4b:s1+s3], $0x80, v4, vm0, $0xb8;
	[tilespmem:$0x12080] =	vst v63  }
0x96: {  	_ = 	snop  }
0x97: {  	[tilespmem:s31], [sflag:$0x1] =	stream.indirect_vreg.gather [hbm4b:s4+s3], $0x80, v4, vm0, $0xb8;
	[tilespmem:$0x12080] =	vst v63  }
0x98: {  	s30 =	simm.s32 $0x1080;
	v3 =	vperm.xlane v3, v2  }
0x99: {  	[tilespmem:s30], [sflag:$0x1] =	stream.indirect_vreg.gather [hbm4b:s5+s3], $0x80, v4, vm0, $0xb8;
	[tilespmem:$0x12080] =	vst v63  }
0x9a: {  	v3 =	vadd.s32 v1, v3  }
0x9b: {  	[tilespmem:s2], [sflag:$0x1] =	stream.indirect_vreg.gather [hbm4b:s6+s3], $0x80, v4, vm0, $0xb8;
	[tilespmem:$0x12080] =	vst v63  }
0x9c: {  	_ = 	snop  }
0x9d: {  	[tilespmem:s11], [sflag:$0x1] =	stream.indirect_vreg.gather [hbm4b:s7+s3], $0x80, v4, vm1, $0xb8;
	[tilespmem:$0x12080] =	vst v63  }
0x9e: {  	_ = 	snop  }
0x9f: {  	[tilespmem:s12], [sflag:$0x1] =	stream.indirect_vreg.gather [hbm4b:s1+s3], $0x80, v3, vm0, $0xb8;
	[tilespmem:$0x12080] =	vst v63  }
0xa0: {  	_ = 	snop  }
0xa1: {  	[tilespmem:s13], [sflag:$0x1] =	stream.indirect_vreg.gather [hbm4b:s4+s3], $0x80, v3, vm0, $0xb8;
	[tilespmem:$0x12080] =	vst v63  }
0xa2: {  	_ = 	snop  }
0xa3: {  	[tilespmem:s14], [sflag:$0x1] =	stream.indirect_vreg.gather [hbm4b:s5+s3], $0x80, v3, vm0, $0xb8;
	[tilespmem:$0x12080] =	vst v63  }
0xa4: {  	_ = 	snop  }
0xa5: {  	[tilespmem:s15], [sflag:$0x1] =	stream.indirect_vreg.gather [hbm4b:s6+s3], $0x80, v3, vm0, $0xb8;
	[tilespmem:$0x12080] =	vst v63  }
0xa6: {  	_ = 	snop  }
0xa7: {  	[tilespmem:s16], [sflag:$0x1] =	stream.indirect_vreg.gather [hbm4b:s7+s3], $0x80, v3, vm1, $0xb8;
	[tilespmem:$0x12080] =	vst v63  }
0xa8: {  	v3 =	vld [tilespmem:$0x10];
	_ =	sdelay $0x4  }
0xa9: {  	v61 =	vshrl.u32 v3, $0x3  }
0xaa: {  	v4 =	vmul.u32 $0x48, v61  }
0xab: {  	v3 =	vand.u32 $0x7, v3  }
0xac: {  	v3 =	vor.u32 v3, v4  }
0xad: {  	v4 =	vperm.xlane v3, v0;
	_ =	sdelay $0x1  }
0xae: {  	v4 =	vadd.s32 v1, v4;
	_ =	sdelay $0x4  }
0xaf: {  	[tilespmem:s17], [sflag:$0x1] =	stream.indirect_vreg.gather [hbm4b:s1+s3], $0x80, v4, vm0, $0xb8;
	[tilespmem:$0x12080] =	vst v63  }
0xb0: {  	_ = 	snop  }
0xb1: {  	[tilespmem:s18], [sflag:$0x1] =	stream.indirect_vreg.gather [hbm4b:s4+s3], $0x80, v4, vm0, $0xb8;
	[tilespmem:$0x12080] =	vst v63  }
0xb2: {  	v3 =	vperm.xlane v3, v2  }
0xb3: {  	[tilespmem:s19], [sflag:$0x1] =	stream.indirect_vreg.gather [hbm4b:s5+s3], $0x80, v4, vm0, $0xb8;
	[tilespmem:$0x12080] =	vst v63  }
0xb4: {  	v3 =	vadd.s32 v1, v3  }
0xb5: {  	[tilespmem:s20], [sflag:$0x1] =	stream.indirect_vreg.gather [hbm4b:s6+s3], $0x80, v4, vm0, $0xb8;
	[tilespmem:$0x12080] =	vst v63  }
0xb6: {  	_ = 	snop  }
0xb7: {  	[tilespmem:s21], [sflag:$0x1] =	stream.indirect_vreg.gather [hbm4b:s7+s3], $0x80, v4, vm1, $0xb8;
	[tilespmem:$0x12080] =	vst v63  }
0xb8: {  	_ = 	snop  }
0xb9: {  	[tilespmem:s22], [sflag:$0x1] =	stream.indirect_vreg.gather [hbm4b:s1+s3], $0x80, v3, vm0, $0xb8;
	[tilespmem:$0x12080] =	vst v63  }
0xba: {  	_ = 	snop  }
0xbb: {  	[tilespmem:s23], [sflag:$0x1] =	stream.indirect_vreg.gather [hbm4b:s4+s3], $0x80, v3, vm0, $0xb8;
	[tilespmem:$0x12080] =	vst v63  }
0xbc: {  	_ = 	snop  }
0xbd: {  	[tilespmem:s24], [sflag:$0x1] =	stream.indirect_vreg.gather [hbm4b:s5+s3], $0x80, v3, vm0, $0xb8;
	[tilespmem:$0x12080] =	vst v63  }
0xbe: {  	_ = 	snop  }
0xbf: {  	[tilespmem:s25], [sflag:$0x1] =	stream.indirect_vreg.gather [hbm4b:s6+s3], $0x80, v3, vm0, $0xb8;
	[tilespmem:$0x12080] =	vst v63  }
0xc0: {  	_ = 	snop  }
0xc1: {  	[tilespmem:s26], [sflag:$0x1] =	stream.indirect_vreg.gather [hbm4b:s7+s3], $0x80, v3, vm1, $0xb8;
	[tilespmem:$0x12080] =	vst v63  }
0xc2: {  	v3 =	vld [tilespmem:$0x20];
	_ =	sdelay $0x4  }
0xc3: {  	v62 =	vshrl.u32 v3, $0x3  }
0xc4: {  	v4 =	vmul.u32 $0x48, v62  }
0xc5: {  	v3 =	vand.u32 $0x7, v3  }
0xc6: {  	v3 =	vor.u32 v3, v4  }
0xc7: {  	v4 =	vperm.xlane v3, v0;
	_ =	sdelay $0x1  }
0xc8: {  	v4 =	vadd.s32 v1, v4;
	_ =	sdelay $0x4  }
0xc9: {  	[tilespmem:s28], [sflag:$0x1] =	stream.indirect_vreg.gather [hbm4b:s1+s3], $0x80, v4, vm0, $0xb8;
	[tilespmem:$0x12080] =	vst v63  }
0xca: {  	_ = 	snop  }
0xcb: {  	[tilespmem:s10], [sflag:$0x1] =	stream.indirect_vreg.gather [hbm4b:s4+s3], $0x80, v4, vm0, $0xb8;
	[tilespmem:$0x12080] =	vst v63  }
0xcc: {  	s30 =	simm.s32 $0xA080;
	v3 =	vperm.xlane v3, v2  }
0xcd: {  	[tilespmem:s30], [sflag:$0x1] =	stream.indirect_vreg.gather [hbm4b:s5+s3], $0x80, v4, vm0, $0xb8;
	[tilespmem:$0x12080] =	vst v63  }
0xce: {  	v3 =	vadd.s32 v1, v3;
	s30 =	simm.s32 $0xA880  }
0xcf: {  	[tilespmem:s30], [sflag:$0x1] =	stream.indirect_vreg.gather [hbm4b:s6+s3], $0x80, v4, vm0, $0xb8;
	[tilespmem:$0x12080] =	vst v63  }
0xd0: {  	s30 =	simm.s32 $0xB080  }
0xd1: {  	[tilespmem:s30], [sflag:$0x1] =	stream.indirect_vreg.gather [hbm4b:s7+s3], $0x80, v4, vm1, $0xb8;
	[tilespmem:$0x12080] =	vst v63  }
0xd2: {  	s30 =	simm.s32 $0xB480  }
0xd3: {  	[tilespmem:s30], [sflag:$0x1] =	stream.indirect_vreg.gather [hbm4b:s1+s3], $0x80, v3, vm0, $0xb8;
	[tilespmem:$0x12080] =	vst v63  }
0xd4: {  	s30 =	simm.s32 $0xBC80  }
0xd5: {  	[tilespmem:s30], [sflag:$0x1] =	stream.indirect_vreg.gather [hbm4b:s4+s3], $0x80, v3, vm0, $0xb8;
	[tilespmem:$0x12080] =	vst v63  }
0xd6: {  	s30 =	simm.s32 $0xC480  }
0xd7: {  	[tilespmem:s30], [sflag:$0x1] =	stream.indirect_vreg.gather [hbm4b:s5+s3], $0x80, v3, vm0, $0xb8;
	[tilespmem:$0x12080] =	vst v63  }
0xd8: {  	s30 =	simm.s32 $0xCC80  }
0xd9: {  	[tilespmem:s30], [sflag:$0x1] =	stream.indirect_vreg.gather [hbm4b:s6+s3], $0x80, v3, vm0, $0xb8;
	[tilespmem:$0x12080] =	vst v63  }
0xda: {  	s30 =	simm.s32 $0xD480  }
0xdb: {  	[tilespmem:s30], [sflag:$0x1] =	stream.indirect_vreg.gather [hbm4b:s7+s3], $0x80, v3, vm1, $0xb8;
	[tilespmem:$0x12080] =	vst v63  }
0xdc: {  	v3 =	vld [tilespmem:$0x30];
	_ =	sdelay $0x4  }
0xdd: {  	v63 =	vshrl.u32 v3, $0x3  }
0xde: {  	v4 =	vmul.u32 $0x48, v63  }
0xdf: {  	v3 =	vand.u32 $0x7, v3  }
0xe0: {  	v3 =	vor.u32 v3, v4  }
0xe1: {  	v4 =	vperm.xlane v3, v0;
	_ =	sdelay $0x1  }
0xe2: {  	v4 =	vadd.s32 v1, v4;
	_ =	sdelay $0x3  }
0xe3: {  	s30 =	simm.s32 $0xD880  }
0xe4: {  	[tilespmem:s30], [sflag:$0x1] =	stream.indirect_vreg.gather [hbm4b:s1+s3], $0x80, v4, vm0, $0xb8;
	[tilespmem:$0x12080] =	vst v63  }
0xe5: {  	s30 =	simm.s32 $0xE080  }
0xe6: {  	[tilespmem:s30], [sflag:$0x1] =	stream.indirect_vreg.gather [hbm4b:s4+s3], $0x80, v4, vm0, $0xb8;
	[tilespmem:$0x12080] =	vst v63  }
0xe7: {  	v3 =	vperm.xlane v3, v2;
	s30 =	simm.s32 $0xE880  }
0xe8: {  	[tilespmem:s30], [sflag:$0x1] =	stream.indirect_vreg.gather [hbm4b:s5+s3], $0x80, v4, vm0, $0xb8;
	[tilespmem:$0x12080] =	vst v63  }
0xe9: {  	v3 =	vadd.s32 v1, v3;
	s30 =	simm.s32 $0xF080  }
0xea: {  	[tilespmem:s30], [sflag:$0x1] =	stream.indirect_vreg.gather [hbm4b:s6+s3], $0x80, v4, vm0, $0xb8;
	[tilespmem:$0x12080] =	vst v63  }
0xeb: {  	s30 =	simm.s32 $0xF880  }
0xec: {  	[tilespmem:s30], [sflag:$0x1] =	stream.indirect_vreg.gather [hbm4b:s7+s3], $0x80, v4, vm1, $0xb8;
	[tilespmem:$0x12080] =	vst v63  }
0xed: {  	s30 =	simm.s32 $0xFC80  }
0xee: {  	[tilespmem:s30], [sflag:$0x1] =	stream.indirect_vreg.gather [hbm4b:s1+s3], $0x80, v3, vm0, $0xb8;
	[tilespmem:$0x12080] =	vst v63  }
0xef: {  	s30 =	simm.s32 $0x10480  }
0xf0: {  	[tilespmem:s30], [sflag:$0x1] =	stream.indirect_vreg.gather [hbm4b:s4+s3], $0x80, v3, vm0, $0xb8;
	[tilespmem:$0x12080] =	vst v63  }
0xf1: {  	s30 =	simm.s32 $0x10C80  }
0xf2: {  	[tilespmem:s30], [sflag:$0x1] =	stream.indirect_vreg.gather [hbm4b:s5+s3], $0x80, v3, vm0, $0xb8;
	[tilespmem:$0x12080] =	vst v63  }
0xf3: {  	s30 =	simm.s32 $0x11480  }
0xf4: {  	[tilespmem:s30], [sflag:$0x1] =	stream.indirect_vreg.gather [hbm4b:s6+s3], $0x80, v3, vm0, $0xb8;
	[tilespmem:$0x12080] =	vst v63  }
0xf5: {  	s30 =	simm.s32 $0x11C80  }
0xf6: {  	[tilespmem:s30], [sflag:$0x1] =	stream.indirect_vreg.gather [hbm4b:s7+s3], $0x80, v3, vm1, $0xb8;
	[tilespmem:$0x12080] =	vst v63  }
0xf7: {  	_ =	swait.ge [sflag:s29], $0x12000  }
0xf8: {  	p0 =	sne.s32 s8, $0x1;
	[sflag:s29] =	ssyncset.done $0x0  }
.Ltmp0:
0xf9: {  	s2 =	rddreg [dreg:$0x7];
	[sflag:s29] =	ssyncadd.s32 $0xFFFEE000;
	(pc) =	sbr.rel @p0 .LBB2_1-.Ltmp0, $4  }
0xfa: {  	[hbm4b:s2+s3] =	stream.linear.scatter [tilespmem:s0], [sflag:$0x2], $0x12000, $0x38;
	[tilespmem:$0x12080] =	vst v63  }
0xfb: {  	_ =	swait.ge [sflag:s9], $0x12000  }
0xfc: {  	[sflag:s9] =	ssyncset.done $0x0  }
0xfd: {  	s8 =	sadd.s32 $0xFFFFFFFF, s8;
	[sflag:s9] =	ssyncadd.s32 $0xFFFEE000  }
0xfe: {  	_ =	sfence.sel $0x180000  }
0xff: {  	[bflag:$0x0] =	sbarrier.arrive $0xFFFF  }
0x100: {  	_ =	strace $0x90000047  }
0x101: {  	s0 =	stileid.u32;
	[bflag:$0x2] =	sbarrier.arrive $0xFFFF  }
0x102: {  	p0 =	sne.s32 s0, $0x0;
	s0 =	rddreg [dreg:$0x3]  }
0x103: {  	s0 =	sadd.s32 @!p0 $0x100000, s0  }
0x104: {  	[sflag:s0] =	ssyncadd.tile.s32 @!p0 $0x1;
	_ =	shalt  }
.Lfunc_end2:
_tile_overlayer_lowered:
.L_overlay_start_2:
0x105: {  	(tag) =	ssettag $0x2  }
0x106: {  	s0 =	rddreg [dreg:$0x0];
	s2 =	stileid.u32  }
0x107: {  	s1 =	rddreg [dreg:$0x1];
	p0 =	sne.s32 s2, $0x0  }
0x108: {  	s3 =	rddreg [dreg:$0x2];
	[bflag:$0x3] =	sbarrier.arrive $0xFFFF;
	s2 =	simm.s32 @!p0 $0x1C02  }
0x109: {  	[timem:s3], [sflag:s2] =	dma.local @!p0 [hbm:s0], s1  }
0x10a: {  	s0 =	simm.s32 @!p0 $0x2  }
0x10b: {  	_ =	swait.ge @!p0 [sflag:s0], s1  }
0x10c: {  	s1 =	ssub.s32 @!p0 $0x0, s1;
	[sflag:s0] =	ssyncset.done @!p0 $0x0  }
0x10d: {  	[sflag:s0] =	ssyncadd.s32 @!p0 s1  }
0x10e: {  	[bflag:$0x3] =	sbarrier.arrive $0xFFFF  }
0x10f: {  	_ =	shalt  }

</sc_bundles>
